<compile_context>
chip_gen: v7x
topology: tpu7x:2x2x1
jax: 0.10.2.dev20260603
libtpu: 0.0.44.dev20260713+nightly
codegen_flags: <defaults>
</compile_context>

<pallas_src>
import functools

import jax
import jax.numpy as jnp
from jax import lax
from jax.experimental import pallas as pl
from jax.experimental.pallas import tpu as pltpu
from jax.experimental.pallas import tpu_sc as plsc

_INFO = plsc.get_sparse_core_info()
_NC = _INFO.num_cores
_NS = _INFO.num_subcores
_NW = _NC * _NS


@functools.cache
def _build(b: int, h: int, vocab: int, d: int):
    bpw = b // _NW

    mesh = plsc.VectorSubcoreMesh(core_axis_name="c", subcore_axis_name="s")

    @functools.partial(
        pl.kernel,
        mesh=mesh,
        out_type=jax.ShapeDtypeStruct((h, b, 2 * d), jnp.float32),
        scratch_types=[
            pltpu.VMEM((h, bpw), jnp.int32),
            pltpu.VMEM((bpw, d), jnp.float32),
            pltpu.VMEM((bpw, d), jnp.float32),
            *[pltpu.SemaphoreType.DMA for _ in range(4)],
        ],
        compiler_params=pltpu.CompilerParams(use_tc_tiling_on_sc=False),
    )
    def emb(ids_hbm, table_hbm, out_hbm, idx_v, r0, r1, *sems):
        rows = (r0, r1)
        sg = sems[:2]
        so = sems[2:]
        wid = lax.axis_index("s") * _NC + lax.axis_index("c")
        b0 = wid * bpw
        pltpu.sync_copy(ids_hbm.at[:, pl.ds(b0, bpw)], idx_v)

        def gather(hh, bi):
            return pltpu.make_async_copy(
                table_hbm.at[idx_v.at[hh]], rows[bi], sg[bi])

        def write(hh, bi):
            return pltpu.make_async_copy(
                rows[bi], out_hbm.at[hh, pl.ds(b0, bpw), pl.ds(0, d)],
                so[bi])

        for bi in range(2):
            gather(bi, bi).start()

        def outer(i, carry):
            for bi in range(2):
                hh = i * 2 + bi
                gather(hh, bi).wait()
                write(hh, bi).start()
                write(hh, bi).wait()
                gather(hh + 2, bi).start()
            return carry

        lax.fori_loop(0, h // 2 - 1, outer, 0)

        for bi in range(2):
            hh = h - 2 + bi
            gather(hh, bi).wait()
            write(hh, bi).start()
        for bi in range(2):
            write(h - 2 + bi, bi).wait()

    return emb


def kernel(input_ids, table):
    b, h = input_ids.shape
    vocab, d = table.shape
    ids_t = input_ids.T.astype(jnp.int32)
    out_t = _build(b, h, vocab, d)(ids_t, table)
    return out_t[:, :, :d].transpose(1, 0, 2)

# --- scband reference (transcript-rebuilt; emitter-appended) ---
"""Pipeline reference for scband-monkey-patched-embedding-44040594653356 (READ-ONLY COPY).

The authoritative reference and input builder live on the scoring server;
editing this copy changes nothing except your own understanding.
"""

import jax, jax.numpy as jnp
import numpy as np

VOCAB = 1000000
EMBED_DIM = 64
BATCH = 4096
HIST = 200

def setup_inputs(seed: int = 0) -> dict:
    key = jax.random.key(seed)
    k_idx, k_tab = jax.random.split(key)
    input_ids = jax.random.randint(k_idx, (BATCH, HIST), 0, VOCAB, dtype=jnp.int64)
    table = jax.random.normal(k_tab, (VOCAB, EMBED_DIM), dtype=jnp.float32) * 0.02
    return {"input_ids": input_ids, "table": table}

def reference(input_ids, table):
    # MonkeyPatchedEmbedding.forward: run original embedding, then move to device.
    # Device transfer is a no-op numerically; the computation is a pure gather.
    out = jnp.take(table, input_ids, axis=0)
    return out

if __name__ == "__main__":
    import jax
    _d = setup_inputs()
    print(jax.jit(kernel)(*tuple(_d.values())))

</pallas_src>

<mosaic_0001>
#map = affine_map<(d0, d1) -> (0, 0)>
#map1 = affine_map<(d0, d1) -> (0, 0, 0)>
module attributes {stable_mosaic.version = 14 : i64} {
  func.func @emb(%arg0: i32, %arg1: i32, %arg2: memref<200x4096xi32, #tpu.memory_space<hbm>>, %arg3: memref<1000000x64xf32, #tpu.memory_space<hbm>>, %arg4: memref<200x4096x128xf32, #tpu.memory_space<hbm>>, %arg5: memref<200x128xi32, #tpu.memory_space<vmem>>, %arg6: memref<128x64xf32, #tpu.memory_space<vmem>>, %arg7: memref<128x64xf32, #tpu.memory_space<vmem>>, %arg8: memref<!tpu.dma_semaphore, #tpu.memory_space<semaphore_mem>>, %arg9: memref<!tpu.dma_semaphore, #tpu.memory_space<semaphore_mem>>, %arg10: memref<!tpu.dma_semaphore, #tpu.memory_space<semaphore_mem>>, %arg11: memref<!tpu.dma_semaphore, #tpu.memory_space<semaphore_mem>>) attributes {dimension_semantics = [#tpu.dimension_semantics<core_parallel>, #tpu.dimension_semantics<subcore_parallel>], iteration_bounds = array<i64: 2, 16>, scalar_prefetch = 0 : i64, scratch_operands = 7 : i64, tpu.core_type = #tpu.core_type<sc_vector_subcore>, window_params = [{transform_indices = #map}, {transform_indices = #map}, {transform_indices = #map1}]} {
    %mul3A = arith.constant 2 : i32
    %mul3A_0 = arith.muli %arg1, %mul3A : i32
    %add3A = arith.addi %mul3A_0, %arg0 : i32
    %mul3A_1 = arith.constant 128 : i32
    %mul3A_2 = arith.muli %add3A, %mul3A_1 : i32
    "tpu.region"() ({
      %run_scoped3A = tpu.sem_alloc : memref<!tpu.dma_semaphore, #tpu.memory_space<semaphore_mem>>
      %dma_start3A_62 = arith.constant 0 : i32
      %dma_start3A_63 = tpu.memref_slice %arg2[%dma_start3A_62, %mul3A_2] : memref<200x4096xi32, #tpu.memory_space<hbm>> -> memref<200x128xi32, #tpu.memory_space<hbm>>
      %dma_start3A_64 = arith.constant 0 : i32
      %dma_start3A_65 = tpu.memref_slice %arg2[%dma_start3A_64, %mul3A_2] : memref<200x4096xi32, #tpu.memory_space<hbm>> -> memref<200x128xi32, #tpu.memory_space<hbm>>
      tpu.enqueue_dma source(%dma_start3A_65 : memref<200x128xi32, #tpu.memory_space<hbm>>) target(%arg5 : memref<200x128xi32, #tpu.memory_space<vmem>>) target_semaphore(%run_scoped3A : memref<!tpu.dma_semaphore, #tpu.memory_space<semaphore_mem>>)
      %dma_wait3A_66 = arith.constant 0 : i32
      %dma_wait3A_67 = tpu.memref_slice %arg2[%dma_wait3A_66, %mul3A_2] : memref<200x4096xi32, #tpu.memory_space<hbm>> -> memref<200x128xi32, #tpu.memory_space<hbm>>
      %dma_wait3A_68 = arith.constant 0 : i32
      %dma_wait3A_69 = tpu.memref_slice %arg2[%dma_wait3A_68, %mul3A_2] : memref<200x4096xi32, #tpu.memory_space<hbm>> -> memref<200x128xi32, #tpu.memory_space<hbm>>
      tpu.wait_dma2 semaphore(%run_scoped3A : memref<!tpu.dma_semaphore, #tpu.memory_space<semaphore_mem>>) src(%dma_wait3A_69 : memref<200x128xi32, #tpu.memory_space<hbm>>) dst(%arg5 : memref<200x128xi32, #tpu.memory_space<vmem>>)
      tpu.yield
    }) : () -> ()
    %dma_start3A = arith.constant 0 : i32
    %dma_start3A_3 = arith.constant 0 : i32
    %dma_start3A_4 = tpu.memref_slice %arg5[%dma_start3A, %dma_start3A_3] : memref<200x128xi32, #tpu.memory_space<vmem>> -> memref<1x128xi32, #tpu.memory_space<vmem>>
    %dma_start3A_5 = tpu.memref_squeeze %dma_start3A_4 : memref<1x128xi32, #tpu.memory_space<vmem>> -> memref<128xi32, #tpu.memory_space<vmem>>
    %dma_start3A_6 = arith.constant 0 : i32
    %dma_start3A_7 = arith.constant 0 : i32
    %dma_start3A_8 = tpu.memref_slice %arg3[%dma_start3A_6, %dma_start3A_7] : memref<1000000x64xf32, #tpu.memory_space<hbm>> -> memref<1000000x64xf32, #tpu.memory_space<hbm>>
    tpu.enqueue_indirect_dma source(%dma_start3A_8 : memref<1000000x64xf32, #tpu.memory_space<hbm>>) target(%arg6 : memref<128x64xf32, #tpu.memory_space<vmem>>) offsets(%dma_start3A_5 : memref<128xi32, #tpu.memory_space<vmem>>) semaphore(%arg8 : memref<!tpu.dma_semaphore, #tpu.memory_space<semaphore_mem>>)
    %dma_start3A_9 = arith.constant 1 : i32
    %dma_start3A_10 = arith.constant 0 : i32
    %dma_start3A_11 = tpu.memref_slice %arg5[%dma_start3A_9, %dma_start3A_10] : memref<200x128xi32, #tpu.memory_space<vmem>> -> memref<1x128xi32, #tpu.memory_space<vmem>>
    %dma_start3A_12 = tpu.memref_squeeze %dma_start3A_11 : memref<1x128xi32, #tpu.memory_space<vmem>> -> memref<128xi32, #tpu.memory_space<vmem>>
    %dma_start3A_13 = arith.constant 0 : i32
    %dma_start3A_14 = arith.constant 0 : i32
    %dma_start3A_15 = tpu.memref_slice %arg3[%dma_start3A_13, %dma_start3A_14] : memref<1000000x64xf32, #tpu.memory_space<hbm>> -> memref<1000000x64xf32, #tpu.memory_space<hbm>>
    tpu.enqueue_indirect_dma source(%dma_start3A_15 : memref<1000000x64xf32, #tpu.memory_space<hbm>>) target(%arg7 : memref<128x64xf32, #tpu.memory_space<vmem>>) offsets(%dma_start3A_12 : memref<128xi32, #tpu.memory_space<vmem>>) semaphore(%arg9 : memref<!tpu.dma_semaphore, #tpu.memory_space<semaphore_mem>>)
    %scan3A = arith.constant 0 : i32
    %scan3A_16 = arith.constant 0 : i32
    %scan3A_17 = arith.constant 99 : i32
    %scan3A_18 = arith.addi %scan3A_16, %scan3A_17 : i32
    %scan3A_19 = arith.constant 1 : i32
    scf.for %scan3A_62 = %scan3A_16 to %scan3A_18 step %scan3A_19  : i32 {
      %mul3A_63 = arith.constant 2 : i32
      %mul3A_64 = arith.muli %scan3A_62, %mul3A_63 : i32
      %add3A_65 = arith.constant 0 : i32
      %add3A_66 = arith.addi %mul3A_64, %add3A_65 : i32
      %dma_wait3A_67 = arith.constant 0 : i32
      %dma_wait3A_68 = tpu.memref_slice %arg5[%add3A_66, %dma_wait3A_67] : memref<200x128xi32, #tpu.memory_space<vmem>> -> memref<1x128xi32, #tpu.memory_space<vmem>>
      %dma_wait3A_69 = tpu.memref_squeeze %dma_wait3A_68 : memref<1x128xi32, #tpu.memory_space<vmem>> -> memref<128xi32, #tpu.memory_space<vmem>>
      %dma_wait3A_70 = arith.constant 0 : i32
      %dma_wait3A_71 = arith.constant 0 : i32
      %dma_wait3A_72 = tpu.memref_slice %arg3[%dma_wait3A_70, %dma_wait3A_71] : memref<1000000x64xf32, #tpu.memory_space<hbm>> -> memref<1000000x64xf32, #tpu.memory_space<hbm>>
      tpu.wait_indirect_dma semaphore(%arg8 : memref<!tpu.dma_semaphore, #tpu.memory_space<semaphore_mem>>) src(%dma_wait3A_72 : memref<1000000x64xf32, #tpu.memory_space<hbm>>) dst(%arg6 : memref<128x64xf32, #tpu.memory_space<vmem>>)
      %dma_start3A_73 = arith.constant 0 : i32
      %dma_start3A_74 = tpu.memref_slice %arg4[%add3A_66, %mul3A_2, %dma_start3A_73] : memref<200x4096x128xf32, #tpu.memory_space<hbm>> -> memref<1x128x64xf32, #tpu.memory_space<hbm>>
      %dma_start3A_75 = tpu.memref_squeeze %dma_start3A_74 : memref<1x128x64xf32, #tpu.memory_space<hbm>> -> memref<128x64xf32, #tpu.memory_space<hbm>>
      %dma_start3A_76 = arith.constant 0 : i32
      %dma_start3A_77 = tpu.memref_slice %arg4[%add3A_66, %mul3A_2, %dma_start3A_76] : memref<200x4096x128xf32, #tpu.memory_space<hbm>> -> memref<1x128x64xf32, #tpu.memory_space<hbm>>
      %dma_start3A_78 = tpu.memref_squeeze %dma_start3A_77 : memref<1x128x64xf32, #tpu.memory_space<hbm>> -> memref<128x64xf32, #tpu.memory_space<hbm>>
      tpu.enqueue_dma source(%arg6 : memref<128x64xf32, #tpu.memory_space<vmem>>) target(%dma_start3A_78 : memref<128x64xf32, #tpu.memory_space<hbm>>) target_semaphore(%arg10 : memref<!tpu.dma_semaphore, #tpu.memory_space<semaphore_mem>>)
      %dma_wait3A_79 = arith.constant 0 : i32
      %dma_wait3A_80 = tpu.memref_slice %arg4[%add3A_66, %mul3A_2, %dma_wait3A_79] : memref<200x4096x128xf32, #tpu.memory_space<hbm>> -> memref<1x128x64xf32, #tpu.memory_space<hbm>>
      %dma_wait3A_81 = tpu.memref_squeeze %dma_wait3A_80 : memref<1x128x64xf32, #tpu.memory_space<hbm>> -> memref<128x64xf32, #tpu.memory_space<hbm>>
      %dma_wait3A_82 = arith.constant 0 : i32
      %dma_wait3A_83 = tpu.memref_slice %arg4[%add3A_66, %mul3A_2, %dma_wait3A_82] : memref<200x4096x128xf32, #tpu.memory_space<hbm>> -> memref<1x128x64xf32, #tpu.memory_space<hbm>>
      %dma_wait3A_84 = tpu.memref_squeeze %dma_wait3A_83 : memref<1x128x64xf32, #tpu.memory_space<hbm>> -> memref<128x64xf32, #tpu.memory_space<hbm>>
      tpu.wait_dma2 semaphore(%arg10 : memref<!tpu.dma_semaphore, #tpu.memory_space<semaphore_mem>>) src(%arg6 : memref<128x64xf32, #tpu.memory_space<vmem>>) dst(%dma_wait3A_84 : memref<128x64xf32, #tpu.memory_space<hbm>>)
      %add3A_85 = arith.constant 2 : i32
      %add3A_86 = arith.addi %add3A_66, %add3A_85 : i32
      %dma_start3A_87 = arith.constant 0 : i32
      %dma_start3A_88 = tpu.memref_slice %arg5[%add3A_86, %dma_start3A_87] : memref<200x128xi32, #tpu.memory_space<vmem>> -> memref<1x128xi32, #tpu.memory_space<vmem>>
      %dma_start3A_89 = tpu.memref_squeeze %dma_start3A_88 : memref<1x128xi32, #tpu.memory_space<vmem>> -> memref<128xi32, #tpu.memory_space<vmem>>
      %dma_start3A_90 = arith.constant 0 : i32
      %dma_start3A_91 = arith.constant 0 : i32
      %dma_start3A_92 = tpu.memref_slice %arg3[%dma_start3A_90, %dma_start3A_91] : memref<1000000x64xf32, #tpu.memory_space<hbm>> -> memref<1000000x64xf32, #tpu.memory_space<hbm>>
      tpu.enqueue_indirect_dma source(%dma_start3A_92 : memref<1000000x64xf32, #tpu.memory_space<hbm>>) target(%arg6 : memref<128x64xf32, #tpu.memory_space<vmem>>) offsets(%dma_start3A_89 : memref<128xi32, #tpu.memory_space<vmem>>) semaphore(%arg8 : memref<!tpu.dma_semaphore, #tpu.memory_space<semaphore_mem>>)
      %mul3A_93 = arith.constant 2 : i32
      %mul3A_94 = arith.muli %scan3A_62, %mul3A_93 : i32
      %add3A_95 = arith.constant 1 : i32
      %add3A_96 = arith.addi %mul3A_94, %add3A_95 : i32
      %dma_wait3A_97 = arith.constant 0 : i32
      %dma_wait3A_98 = tpu.memref_slice %arg5[%add3A_96, %dma_wait3A_97] : memref<200x128xi32, #tpu.memory_space<vmem>> -> memref<1x128xi32, #tpu.memory_space<vmem>>
      %dma_wait3A_99 = tpu.memref_squeeze %dma_wait3A_98 : memref<1x128xi32, #tpu.memory_space<vmem>> -> memref<128xi32, #tpu.memory_space<vmem>>
      %dma_wait3A_100 = arith.constant 0 : i32
      %dma_wait3A_101 = arith.constant 0 : i32
      %dma_wait3A_102 = tpu.memref_slice %arg3[%dma_wait3A_100, %dma_wait3A_101] : memref<1000000x64xf32, #tpu.memory_space<hbm>> -> memref<1000000x64xf32, #tpu.memory_space<hbm>>
      tpu.wait_indirect_dma semaphore(%arg9 : memref<!tpu.dma_semaphore, #tpu.memory_space<semaphore_mem>>) src(%dma_wait3A_102 : memref<1000000x64xf32, #tpu.memory_space<hbm>>) dst(%arg7 : memref<128x64xf32, #tpu.memory_space<vmem>>)
      %dma_start3A_103 = arith.constant 0 : i32
      %dma_start3A_104 = tpu.memref_slice %arg4[%add3A_96, %mul3A_2, %dma_start3A_103] : memref<200x4096x128xf32, #tpu.memory_space<hbm>> -> memref<1x128x64xf32, #tpu.memory_space<hbm>>
      %dma_start3A_105 = tpu.memref_squeeze %dma_start3A_104 : memref<1x128x64xf32, #tpu.memory_space<hbm>> -> memref<128x64xf32, #tpu.memory_space<hbm>>
      %dma_start3A_106 = arith.constant 0 : i32
      %dma_start3A_107 = tpu.memref_slice %arg4[%add3A_96, %mul3A_2, %dma_start3A_106] : memref<200x4096x128xf32, #tpu.memory_space<hbm>> -> memref<1x128x64xf32, #tpu.memory_space<hbm>>
      %dma_start3A_108 = tpu.memref_squeeze %dma_start3A_107 : memref<1x128x64xf32, #tpu.memory_space<hbm>> -> memref<128x64xf32, #tpu.memory_space<hbm>>
      tpu.enqueue_dma source(%arg7 : memref<128x64xf32, #tpu.memory_space<vmem>>) target(%dma_start3A_108 : memref<128x64xf32, #tpu.memory_space<hbm>>) target_semaphore(%arg11 : memref<!tpu.dma_semaphore, #tpu.memory_space<semaphore_mem>>)
      %dma_wait3A_109 = arith.constant 0 : i32
      %dma_wait3A_110 = tpu.memref_slice %arg4[%add3A_96, %mul3A_2, %dma_wait3A_109] : memref<200x4096x128xf32, #tpu.memory_space<hbm>> -> memref<1x128x64xf32, #tpu.memory_space<hbm>>
      %dma_wait3A_111 = tpu.memref_squeeze %dma_wait3A_110 : memref<1x128x64xf32, #tpu.memory_space<hbm>> -> memref<128x64xf32, #tpu.memory_space<hbm>>
      %dma_wait3A_112 = arith.constant 0 : i32
      %dma_wait3A_113 = tpu.memref_slice %arg4[%add3A_96, %mul3A_2, %dma_wait3A_112] : memref<200x4096x128xf32, #tpu.memory_space<hbm>> -> memref<1x128x64xf32, #tpu.memory_space<hbm>>
      %dma_wait3A_114 = tpu.memref_squeeze %dma_wait3A_113 : memref<1x128x64xf32, #tpu.memory_space<hbm>> -> memref<128x64xf32, #tpu.memory_space<hbm>>
      tpu.wait_dma2 semaphore(%arg11 : memref<!tpu.dma_semaphore, #tpu.memory_space<semaphore_mem>>) src(%arg7 : memref<128x64xf32, #tpu.memory_space<vmem>>) dst(%dma_wait3A_114 : memref<128x64xf32, #tpu.memory_space<hbm>>)
      %add3A_115 = arith.constant 2 : i32
      %add3A_116 = arith.addi %add3A_96, %add3A_115 : i32
      %dma_start3A_117 = arith.constant 0 : i32
      %dma_start3A_118 = tpu.memref_slice %arg5[%add3A_116, %dma_start3A_117] : memref<200x128xi32, #tpu.memory_space<vmem>> -> memref<1x128xi32, #tpu.memory_space<vmem>>
      %dma_start3A_119 = tpu.memref_squeeze %dma_start3A_118 : memref<1x128xi32, #tpu.memory_space<vmem>> -> memref<128xi32, #tpu.memory_space<vmem>>
      %dma_start3A_120 = arith.constant 0 : i32
      %dma_start3A_121 = arith.constant 0 : i32
      %dma_start3A_122 = tpu.memref_slice %arg3[%dma_start3A_120, %dma_start3A_121] : memref<1000000x64xf32, #tpu.memory_space<hbm>> -> memref<1000000x64xf32, #tpu.memory_space<hbm>>
      tpu.enqueue_indirect_dma source(%dma_start3A_122 : memref<1000000x64xf32, #tpu.memory_space<hbm>>) target(%arg7 : memref<128x64xf32, #tpu.memory_space<vmem>>) offsets(%dma_start3A_119 : memref<128xi32, #tpu.memory_space<vmem>>) semaphore(%arg9 : memref<!tpu.dma_semaphore, #tpu.memory_space<semaphore_mem>>)
    }
    %scan3A_20 = arith.constant 99 : i32
    %dma_wait3A = arith.constant 198 : i32
    %dma_wait3A_21 = arith.constant 0 : i32
    %dma_wait3A_22 = tpu.memref_slice %arg5[%dma_wait3A, %dma_wait3A_21] : memref<200x128xi32, #tpu.memory_space<vmem>> -> memref<1x128xi32, #tpu.memory_space<vmem>>
    %dma_wait3A_23 = tpu.memref_squeeze %dma_wait3A_22 : memref<1x128xi32, #tpu.memory_space<vmem>> -> memref<128xi32, #tpu.memory_space<vmem>>
    %dma_wait3A_24 = arith.constant 0 : i32
    %dma_wait3A_25 = arith.constant 0 : i32
    %dma_wait3A_26 = tpu.memref_slice %arg3[%dma_wait3A_24, %dma_wait3A_25] : memref<1000000x64xf32, #tpu.memory_space<hbm>> -> memref<1000000x64xf32, #tpu.memory_space<hbm>>
    tpu.wait_indirect_dma semaphore(%arg8 : memref<!tpu.dma_semaphore, #tpu.memory_space<semaphore_mem>>) src(%dma_wait3A_26 : memref<1000000x64xf32, #tpu.memory_space<hbm>>) dst(%arg6 : memref<128x64xf32, #tpu.memory_space<vmem>>)
    %dma_start3A_27 = arith.constant 198 : i32
    %dma_start3A_28 = arith.constant 0 : i32
    %dma_start3A_29 = tpu.memref_slice %arg4[%dma_start3A_27, %mul3A_2, %dma_start3A_28] : memref<200x4096x128xf32, #tpu.memory_space<hbm>> -> memref<1x128x64xf32, #tpu.memory_space<hbm>>
    %dma_start3A_30 = tpu.memref_squeeze %dma_start3A_29 : memref<1x128x64xf32, #tpu.memory_space<hbm>> -> memref<128x64xf32, #tpu.memory_space<hbm>>
    %dma_start3A_31 = arith.constant 0 : i32
    %dma_start3A_32 = tpu.memref_slice %arg4[%dma_start3A_27, %mul3A_2, %dma_start3A_31] : memref<200x4096x128xf32, #tpu.memory_space<hbm>> -> memref<1x128x64xf32, #tpu.memory_space<hbm>>
    %dma_start3A_33 = tpu.memref_squeeze %dma_start3A_32 : memref<1x128x64xf32, #tpu.memory_space<hbm>> -> memref<128x64xf32, #tpu.memory_space<hbm>>
    tpu.enqueue_dma source(%arg6 : memref<128x64xf32, #tpu.memory_space<vmem>>) target(%dma_start3A_33 : memref<128x64xf32, #tpu.memory_space<hbm>>) target_semaphore(%arg10 : memref<!tpu.dma_semaphore, #tpu.memory_space<semaphore_mem>>)
    %dma_wait3A_34 = arith.constant 199 : i32
    %dma_wait3A_35 = arith.constant 0 : i32
    %dma_wait3A_36 = tpu.memref_slice %arg5[%dma_wait3A_34, %dma_wait3A_35] : memref<200x128xi32, #tpu.memory_space<vmem>> -> memref<1x128xi32, #tpu.memory_space<vmem>>
    %dma_wait3A_37 = tpu.memref_squeeze %dma_wait3A_36 : memref<1x128xi32, #tpu.memory_space<vmem>> -> memref<128xi32, #tpu.memory_space<vmem>>
    %dma_wait3A_38 = arith.constant 0 : i32
    %dma_wait3A_39 = arith.constant 0 : i32
    %dma_wait3A_40 = tpu.memref_slice %arg3[%dma_wait3A_38, %dma_wait3A_39] : memref<1000000x64xf32, #tpu.memory_space<hbm>> -> memref<1000000x64xf32, #tpu.memory_space<hbm>>
    tpu.wait_indirect_dma semaphore(%arg9 : memref<!tpu.dma_semaphore, #tpu.memory_space<semaphore_mem>>) src(%dma_wait3A_40 : memref<1000000x64xf32, #tpu.memory_space<hbm>>) dst(%arg7 : memref<128x64xf32, #tpu.memory_space<vmem>>)
    %dma_start3A_41 = arith.constant 199 : i32
    %dma_start3A_42 = arith.constant 0 : i32
    %dma_start3A_43 = tpu.memref_slice %arg4[%dma_start3A_41, %mul3A_2, %dma_start3A_42] : memref<200x4096x128xf32, #tpu.memory_space<hbm>> -> memref<1x128x64xf32, #tpu.memory_space<hbm>>
    %dma_start3A_44 = tpu.memref_squeeze %dma_start3A_43 : memref<1x128x64xf32, #tpu.memory_space<hbm>> -> memref<128x64xf32, #tpu.memory_space<hbm>>
    %dma_start3A_45 = arith.constant 0 : i32
    %dma_start3A_46 = tpu.memref_slice %arg4[%dma_start3A_41, %mul3A_2, %dma_start3A_45] : memref<200x4096x128xf32, #tpu.memory_space<hbm>> -> memref<1x128x64xf32, #tpu.memory_space<hbm>>
    %dma_start3A_47 = tpu.memref_squeeze %dma_start3A_46 : memref<1x128x64xf32, #tpu.memory_space<hbm>> -> memref<128x64xf32, #tpu.memory_space<hbm>>
    tpu.enqueue_dma source(%arg7 : memref<128x64xf32, #tpu.memory_space<vmem>>) target(%dma_start3A_47 : memref<128x64xf32, #tpu.memory_space<hbm>>) target_semaphore(%arg11 : memref<!tpu.dma_semaphore, #tpu.memory_space<semaphore_mem>>)
    %dma_wait3A_48 = arith.constant 198 : i32
    %dma_wait3A_49 = arith.constant 0 : i32
    %dma_wait3A_50 = tpu.memref_slice %arg4[%dma_wait3A_48, %mul3A_2, %dma_wait3A_49] : memref<200x4096x128xf32, #tpu.memory_space<hbm>> -> memref<1x128x64xf32, #tpu.memory_space<hbm>>
    %dma_wait3A_51 = tpu.memref_squeeze %dma_wait3A_50 : memref<1x128x64xf32, #tpu.memory_space<hbm>> -> memref<128x64xf32, #tpu.memory_space<hbm>>
    %dma_wait3A_52 = arith.constant 0 : i32
    %dma_wait3A_53 = tpu.memref_slice %arg4[%dma_wait3A_48, %mul3A_2, %dma_wait3A_52] : memref<200x4096x128xf32, #tpu.memory_space<hbm>> -> memref<1x128x64xf32, #tpu.memory_space<hbm>>
    %dma_wait3A_54 = tpu.memref_squeeze %dma_wait3A_53 : memref<1x128x64xf32, #tpu.memory_space<hbm>> -> memref<128x64xf32, #tpu.memory_space<hbm>>
    tpu.wait_dma2 semaphore(%arg10 : memref<!tpu.dma_semaphore, #tpu.memory_space<semaphore_mem>>) src(%arg6 : memref<128x64xf32, #tpu.memory_space<vmem>>) dst(%dma_wait3A_54 : memref<128x64xf32, #tpu.memory_space<hbm>>)
    %dma_wait3A_55 = arith.constant 199 : i32
    %dma_wait3A_56 = arith.constant 0 : i32
    %dma_wait3A_57 = tpu.memref_slice %arg4[%dma_wait3A_55, %mul3A_2, %dma_wait3A_56] : memref<200x4096x128xf32, #tpu.memory_space<hbm>> -> memref<1x128x64xf32, #tpu.memory_space<hbm>>
    %dma_wait3A_58 = tpu.memref_squeeze %dma_wait3A_57 : memref<1x128x64xf32, #tpu.memory_space<hbm>> -> memref<128x64xf32, #tpu.memory_space<hbm>>
    %dma_wait3A_59 = arith.constant 0 : i32
    %dma_wait3A_60 = tpu.memref_slice %arg4[%dma_wait3A_55, %mul3A_2, %dma_wait3A_59] : memref<200x4096x128xf32, #tpu.memory_space<hbm>> -> memref<1x128x64xf32, #tpu.memory_space<hbm>>
    %dma_wait3A_61 = tpu.memref_squeeze %dma_wait3A_60 : memref<1x128x64xf32, #tpu.memory_space<hbm>> -> memref<128x64xf32, #tpu.memory_space<hbm>>
    tpu.wait_dma2 semaphore(%arg11 : memref<!tpu.dma_semaphore, #tpu.memory_space<semaphore_mem>>) src(%arg7 : memref<128x64xf32, #tpu.memory_space<vmem>>) dst(%dma_wait3A_61 : memref<128x64xf32, #tpu.memory_space<hbm>>)
    return
  }
}

</mosaic_0001>

<sc_bundles>
// kernel: kernel.3.cloned.1.call-start
scs
__scs_entry_jumppad:
0x0: {  	(pc) =	sbr.rel $0x88, $3  }
0x1: {  	(tag) =	ssettag $0x0;
	lr =	simm.s32 $0x1  }
0x2: {  	[smem:$0x3F9F] =	sst lr;
	_ =	strace $0xD0000000  }
0x3: {  	_ = 	snop  }
0x4: {  	_ = 	snop  }
0x5: {  	_ = 	snop  }
0x6: {  	_ = 	snop  }
0x7: {  	_ = 	snop  }
__scs_overlays_trampoline_lowered:
0x8: {  	[smem:$0x3FAE] =	sst s0  }
0x9: {  	[smem:$0x3FAF] =	sst s1  }
0xa: {  	[smem:$0x3FB0] =	sst s2  }
0xb: {  	[smem:$0x3FB1] =	sst s3  }
0xc: {  	[smem:$0x3FB2] =	sst s4  }
0xd: {  	[smem:$0x3FB3] =	sst s5  }
0xe: {  	[smem:$0x3FB4] =	sst s6  }
0xf: {  	[smem:$0x3FB5] =	sst s7  }
0x10: {  	[smem:$0x3FB6] =	sst s8  }
0x11: {  	[smem:$0x3FB7] =	sst s9;
	s0 =	simm.s32 @!p0 $0x0  }
0x12: {  	s1 =	sld [smem:$0x3F9D];
	s0 =	simm.s32 @p0 $0x1  }
0x13: {  	[smem:$0x3FB8] =	sst s0;
	s0 =	simm.s32 @!p1 $0x0  }
0x14: {  	s2 =	sld [smem:$0x3F9C];
	s0 =	simm.s32 @p1 $0x1  }
0x15: {  	[smem:$0x3FB9] =	sst s0;
	s0 =	simm.s32 @!p2 $0x0  }
0x16: {  	s3 =	sld [smem:$0x3FDB];
	s0 =	simm.s32 @p2 $0x1  }
0x17: {  	s4 =	simm.s32 $0x1BF5;
	[smem:$0x3FBB] =	sst s0  }
0x18: {  	s0 =	sld [smem:$0x3F9E];
	_ =	swait.ge [sflag:s4], $0x0  }
0x19: {  	s7 =	sld [smem:$0x3F9F]  }
0x1a: {  	s8 =	sadd.s32 $0xFFFFE003, lr  }
0x1b: {  	s9 =	sadd.s32 $0xFFFFFEF7, lr;
	s5 =	simm.s32 $0xFFFFFFFF;
	p2 =	slt.u32 s8, $0xFFFFF086  }
0x1c: {  	p1 =	slt.u32 s9, $0xF7A;
	s5 =	simm.s32 @!p2 $0x0  }
0x1d: {  	s5 =	simm.s32 @p1 $0x1;
	p0 =	seq.s32 s7, s2  }
0x1e: {  	s7 =	smul.u32 @!p0 $0xF7A, s2;
	p2 =	seq.s32 @!p0 s5, $0x0  }
0x1f: {  	s9 =	smul.u32 $0xF7A, s1;
	s8 =	simm.s32 @!p0 $0x1BF5;
	p2 =	por !p2, p0  }
0x20: {  	[sflag:s8] =	ssyncset.s32 @!p0 $0xFFFFF086;
	s6 =	sadd.s32 @!p0 s3, s7;
	s7 =	simm.s32 @!p0 $0x108  }
0x21: {  	s3 =	sadd.s32 s3, s9;
	s6 =	sadd.s32 @!p0 $0x88, s6;
	s7 =	simm.s32 @p2 $0x1082  }
0x22: {  	[simem:s7], [sflag:s8] =	dma.local @!p0 [hbm:s6], $0xF7A  }
0x23: {  	s9 =	sor.u32 $0xD0000000, s2;
	s6 =	simm.s32 $0x108;
	_ =	swait.ge @!p0 [sflag:s8], $0x0  }
0x24: {  	s3 =	sadd.s32 $0x88, s3;
	s6 =	simm.s32 @!p1 $0x1082;
	[sflag:s4] =	ssyncset.s32 $0xFFFFF086  }
0x25: {  	[simem:s6], [sflag:s4] =	dma.local [hbm:s3], $0xF7A  }
0x26: {  	[smem:$0x3F9F] =	sst s1;
	(tag) =	ssettag s2;
	_ =	strace s9  }
0x27: {  	s1 =	sld [smem:$0x3FAF]  }
0x28: {  	s2 =	sld [smem:$0x3FB0]  }
0x29: {  	s4 =	sld [smem:$0x3FB2]  }
0x2a: {  	p0 =	seq.s32 s5, $0x0;
	s5 =	sld [smem:$0x3FB3]  }
0x2b: {  	s6 =	sld [smem:$0x3FB4]  }
0x2c: {  	s7 =	sld [smem:$0x3FB5]  }
0x2d: {  	s3 =	simm.s32 $0x108;
	s8 =	sld [smem:$0x3FB6]  }
0x2e: {  	s3 =	simm.s32 @!p0 $0x1082;
	s9 =	sld [smem:$0x3FB7]  }
0x2f: {  	lr =	sadd.s32 s0, s3;
	s0 =	sld [smem:$0x3FAE]  }
0x30: {  	s3 =	sld [smem:$0x3FB1]  }
0x31: {  	[smem:$0x3FBA] =	sst s10  }
0x32: {  	s10 =	sld [smem:$0x3FB8];
	_ =	sdelay $0x3  }
0x33: {  	p0 =	seq.s32 s10, $0x1;
	s10 =	sld [smem:$0x3FBA];
	_ =	sdelay $0x3  }
0x34: {  	[smem:$0x3FBA] =	sst s10  }
0x35: {  	s10 =	sld [smem:$0x3FB9];
	_ =	sdelay $0x3  }
0x36: {  	p1 =	seq.s32 s10, $0x1;
	s10 =	sld [smem:$0x3FBA];
	_ =	sdelay $0x3  }
0x37: {  	[smem:$0x3FBA] =	sst s10  }
0x38: {  	s10 =	sld [smem:$0x3FBB]  }
0x39: {  	_ = 	snop;
	(pc) =	sbr.ind lr, $3  }
0x3a: {  	_ = 	snop  }
0x3b: {  	_ = 	snop  }
0x3c: {  	p2 =	seq.s32 s10, $0x1;
	s10 =	sld [smem:$0x3FBA]  }
0x3d: {  	_ =	shalt  }
0x3e: {  	_ =	shalt  }
0x3f: {  	_ =	shalt  }
0x40: {  	_ =	shalt  }
0x41: {  	_ =	shalt  }
0x42: {  	_ =	shalt  }
0x43: {  	_ =	shalt  }
0x44: {  	_ =	shalt  }
0x45: {  	_ =	shalt  }
0x46: {  	_ =	shalt  }
0x47: {  	_ =	shalt  }
0x48: {  	_ =	shalt  }
0x49: {  	_ =	shalt  }
0x4a: {  	_ =	shalt  }
0x4b: {  	_ =	shalt  }
0x4c: {  	_ =	shalt  }
0x4d: {  	_ =	shalt  }
0x4e: {  	_ =	shalt  }
0x4f: {  	_ =	shalt  }
0x50: {  	_ =	shalt  }
0x51: {  	_ =	shalt  }
0x52: {  	_ =	shalt  }
0x53: {  	_ =	shalt  }
0x54: {  	_ =	shalt  }
0x55: {  	_ =	shalt  }
0x56: {  	_ =	shalt  }
0x57: {  	_ =	shalt  }
0x58: {  	_ =	shalt  }
0x59: {  	_ =	shalt  }
0x5a: {  	_ =	shalt  }
0x5b: {  	_ =	shalt  }
0x5c: {  	_ =	shalt  }
0x5d: {  	_ =	shalt  }
0x5e: {  	_ =	shalt  }
0x5f: {  	_ =	shalt  }
0x60: {  	_ =	shalt  }
0x61: {  	_ =	shalt  }
0x62: {  	_ =	shalt  }
0x63: {  	_ =	shalt  }
0x64: {  	_ =	shalt  }
0x65: {  	_ =	shalt  }
0x66: {  	_ =	shalt  }
0x67: {  	_ =	shalt  }
0x68: {  	_ =	shalt  }
0x69: {  	_ =	shalt  }
0x6a: {  	_ =	shalt  }
0x6b: {  	_ =	shalt  }
0x6c: {  	_ =	shalt  }
0x6d: {  	_ =	shalt  }
0x6e: {  	_ =	shalt  }
0x6f: {  	_ =	shalt  }
0x70: {  	_ =	shalt  }
0x71: {  	_ =	shalt  }
0x72: {  	_ =	shalt  }
0x73: {  	_ =	shalt  }
0x74: {  	_ =	shalt  }
0x75: {  	_ =	shalt  }
0x76: {  	_ =	shalt  }
0x77: {  	_ =	shalt  }
0x78: {  	_ =	shalt  }
0x79: {  	_ =	shalt  }
0x7a: {  	_ =	shalt  }
0x7b: {  	_ =	shalt  }
0x7c: {  	_ =	shalt  }
0x7d: {  	_ =	shalt  }
0x7e: {  	_ =	shalt  }
0x7f: {  	_ =	shalt  }
0x80: {  	_ =	shalt  }
0x81: {  	_ =	shalt  }
0x82: {  	_ =	shalt  }
0x83: {  	_ =	shalt  }
0x84: {  	_ =	shalt  }
0x85: {  	_ =	shalt  }
0x86: {  	_ =	shalt  }
0x87: {  	_ =	shalt  }
.Lfunc_end0:
.L_simem_size_0:
called_computation.1_lowered:
.L_overlay_start_0:
0x88: {  	s2 =	sld [smem:$0x3FD9]  }
0x89: {  	s3 =	sld [smem:$0x3FFE];
	_ =	sdelay $0x1  }
0x8a: {  	s1 =	srdreg.scid  }
0x8b: {  	s0 =	sand.u32 $0x1, s1  }
0x8c: {  	s17 =	sshll.u32 s0, $0xA;
	s2 =	sadd.s32 s3, s2  }
0x8d: {  	s2 =	sadd.s32 s2, s17  }
0x8e: {  	[smem:$0x3FC6] =	sst s2  }
0x8f: {  	_ = 	snop  }
0x90: {  	s2 =	sld [smem:$0x3FD0];
	(tm) =	ssettm $0x1  }
0x91: {  	s18 =	sld [smem:$0x3FFB];
	_ =	sdelay $0x3  }
0x92: {  	_ =	strace s18  }
0x93: {  	s3 =	sld [smem:$0x3FFC];
	_ =	sdelay $0x3  }
0x94: {  	_ =	strace s3  }
0x95: {  	s3 =	sld [smem:$0x3FFD];
	_ =	sdelay $0x3  }
0x96: {  	_ =	strace s3  }
0x97: {  	_ =	strace $0x8FFFFFFF  }
0x98: {  	s19 =	sld [smem:$0x3FDB];
	_ =	sdelay $0x1  }
0x99: {  	s4 =	simm.s32 $_scs_section_size  }
0x9a: {  	s5 =	simm.s32 $_size__tile_overlayer_lowered;
	s6 =	simm.s32 $_tile_overlayer_lowered  }
0x9b: {  	s22 =	simm.s32 $0x1BFF;
	s21 =	sshll.u32 s6, $0x1;
	s3 =	sadd.s32 s4, s19  }
0x9c: {  	s7 =	simm.s32 $0x0;
	s20 =	sshll.u32 s5, $0x1;
	s5 =	sadd.s32 s21, s3  }
0x9d: {  	[timem:s7], [sflag:s22] =	dma.local [hbm:s5], s20  }
0x9e: {  	_ =	swait.ge [sflag:s22], s20  }
0x9f: {  	s4 =	ssub.s32 $0x0, s20;
	[sflag:s22] =	ssyncset.done $0x0  }
0xa0: {  	[sflag:s22] =	ssyncadd.s32 s4;
	_ =	sdelay $0x1  }
0xa1: {  	s23 =	simm.s32 $0x1B8B  }
0xa2: {  	_ =	swait.ge [sflag:s23], $0x1  }
0xa3: {  	[sflag:s23] =	ssyncset.done $0x0  }
0xa4: {  	s25 =	simm.s32 $0x1B8E;
	s24 =	sld [smem:$0x3FFE];
	[sflag:s23] =	ssyncadd.s32 $0xFFFFFFFF  }
0xa5: {  	s26 =	simm.s32 $execute0_lowered;
	[smem:$0x3FD2] =	sst s25  }
0xa6: {  	s5 =	sshll.u32 s26, $0x1;
	_ =	strace $0x80000046;
	[dreg:$0x1] =	wrdreg $0xFFFFFFFF  }
0xa7: {  	s28 =	simm.s32 $_size_execute0_lowered;
	s3 =	sadd.s32 s3, s5;
	[dreg:$0x0] =	wrdreg $0x0  }
0xa8: {  	s5 =	sshll.u32 s28, $0x1;
	[dreg:$0x2] =	wrdreg s3  }
0xa9: {  	[dreg:$0x3] =	wrdreg s5  }
0xaa: {  	[dreg:$0x4] =	wrdreg $0xC0  }
0xab: {  	_ =	task [dreg:s7], $0x5FFFF  }
0xac: {  	[dreg:$0x1] =	wrdreg $0xFFFFFFFF  }
0xad: {  	[dreg:$0x0] =	wrdreg $0x60  }
0xae: {  	[dreg:$0x2] =	wrdreg s2  }
0xaf: {  	[dreg:$0x3] =	wrdreg s24  }
0xb0: {  	[dreg:$0x4] =	wrdreg $0x9  }
0xb1: {  	_ =	task.clear_ibuf [dreg:s7], $0x5FFFF;
	_ =	strace $0x90000046  }
0xb2: {  	s29 =	simm.s32 $0x9;
	_ =	strace $0x80000048  }
0xb3: {  	_ =	swait.ge [sflag:s29], $0x1  }
0xb4: {  	[sflag:s29] =	ssyncadd.s32 $0xFFFFFFFF  }
0xb5: {  	_ =	strace $0x90000048  }
0xb6: {  	_ =	sfence  }
0xb7: {  	s30 =	sld [smem:$0x0];
	_ =	sdelay $0x2  }
0xb8: {  	s31 =	sshll.u32 s1, $0xD;
	s1 =	sshrl.u32 s1, $0x2  }
0xb9: {  	s3 =	sand.u32 $0x4000, s31;
	s1 =	sadd.s32 s1, s30  }
0xba: {  	s0 =	sor.u32 s3, s0;
	s1 =	sshll.u32 s1, $0x11  }
0xbb: {  	s0 =	sor.u32 s1, s0  }
0xbc: {  	s0 =	sadd.s32 $0x8F2B, s0  }
0xbd: {  	[sflag:s0] =	ssyncadd.remote.s32 $0x1  }
0xbe: {  	_ =	sfence.sel $0xFFFF  }
0xbf: {  	[dreg:$0x0] =	wrdreg $0xFFFFFFFF;
	(pc) =	sbr.abs _section_cstart, $3  }
0xc0: {  	[dreg:$0x1] =	wrdreg $0xFFFFFFFF  }
0xc1: {  	_ =	task.clear_ibuf [dreg:s7], $0x2FFFF;
	_ =	strace $0x9FFFFFFF  }
0xc2: {  	(tm) =	ssettm $0x7FFFFFFF  }
0xc3: {  	_ =	shalt  }
tec
execute0_lowered:
.L_overlay_start_1:
0x0: {  	(tag) =	ssettag $0x1  }
0x1: {  	s4 =	rddreg [dreg:$0x0]  }
0x2: {  	s5 =	rddreg [dreg:$0x1]  }
0x3: {  	s0 =	rddreg [dreg:$0x2]  }
0x4: {  	s2 =	simm.s32 $0x0;
	s3 =	srdreg.scid;
	s1 =	stileid.u32  }
0x5: {  	s11 =	simm.s32 $0x5;
	s12 =	simm.s32 $0x6400;
	s13 =	simm.s32 $0x8400  }
0x6: {  	s14 =	simm.s32 $0x1;
	s15 =	simm.s32 $0x40;
	s16 =	simm.s32 $0x3  }
0x7: {  	s17 =	simm.s32 $0x2;
	s18 =	simm.s32 $0x4;
	s19 =	simm.s32 $0x0  }
0x8: {  	[smem:$0x7FF] =	sst s2;
	s8 =	sand.u32 $0x1, s3;
	s3 =	sadd.s32 $0xF42C00, s5  }
0x9: {  	s6 =	sshll.u32 s1, $0x8;
	s9 =	sadd.s32 $0x800, s5;
	s31 =	sshll.u32 s1, $0xC  }
0xa: {  	_ =	strace $0x80000047;
	s7 =	sshll.u32 s8, $0x7;
	s29 =	ssub.s32 $0x2, s8  }
0xb: {  	s8 =	sshll.u32 s8, $0xB;
	s6 =	sor.u32 s7, s6;
	s30 =	sshrl.u32 s29, $0x1  }
0xc: {  	s10 =	sshrl.u32 s6, $0x3;
	s6 =	sshll.u32 s6, $0x4;
	s7 =	ssub.s32 s29, s30  }
0xd: {  	s4 =	sadd.s32 s4, s10;
	s6 =	sadd.s32 s6, s9;
	s7 =	smax.u32 s7, $0x1  }
0xe: {  	s9 =	sadd.s32 s31, s9;
	s10 =	simm.s32 $0x1000;
	s5 =	sadd.s32 $0xC60000, s6  }
0xf: {  	s6 =	sadd.s32 $0xC70000, s6;
	s8 =	sadd.s32 s8, s9;
	s9 =	simm.s32 $0x80  }
.LBB2_1:
0x10: {  	[tilespmem:s2], [sflag:$0x5] =	stream.strided.gather [hbm4b:s4+s9], $0x6400, s10, s9, $0x38;
	[tilespmem:$0xA400] =	vst v63  }
0x11: {  	_ =	swait.ge [sflag:s11], $0x6400  }
0x12: {  	[sflag:s11] =	ssyncset.done $0x0  }
0x13: {  	[sflag:s11] =	ssyncadd.s32 $0xFFFF9C00  }
0x14: {  	[tilespmem:s12], [sflag:$0x1] =	stream.indirect.gather [hbm4b:s3+s9], $0x40, s2, s9, $0xb8;
	[tilespmem:$0xA400] =	vst v63  }
0x15: {  	_ = 	snop  }
0x16: {  	[tilespmem:s13], [sflag:$0x2] =	stream.indirect.gather [hbm4b:s3+s9], $0x40, s9, s9, $0xb8;
	[tilespmem:$0xA400] =	vst v63  }
0x17: {  	_ =	swait.ge [sflag:s14], $0x2000  }
0x18: {  	[sflag:s14] =	ssyncset.done $0x0  }
0x19: {  	s20 =	sadd.s32 $0x0, s8;
	[sflag:s14] =	ssyncadd.s32 $0xFFFFE000  }
0x1a: {  	[hbm4b:s20+s15] =	stream.strided.scatter [tilespmem:s12], [sflag:$0x3], $0x2000, s9, s15, $0x38;
	[tilespmem:$0xA400] =	vst v63  }
0x1b: {  	_ =	swait.ge [sflag:s16], $0x2000  }
0x1c: {  	[sflag:s16] =	ssyncset.done $0x0  }
0x1d: {  	s21 =	simm.s32 $0x100;
	[sflag:s16] =	ssyncadd.s32 $0xFFFFE000  }
0x1e: {  	[tilespmem:s12], [sflag:$0x1] =	stream.indirect.gather [hbm4b:s3+s9], $0x40, s21, s9, $0xb8;
	[tilespmem:$0xA400] =	vst v63  }
0x1f: {  	_ =	swait.ge [sflag:s17], $0x2000  }
0x20: {  	[sflag:s17] =	ssyncset.done $0x0  }
0x21: {  	s20 =	sadd.s32 $0x10000, s20;
	[sflag:s17] =	ssyncadd.s32 $0xFFFFE000  }
0x22: {  	[hbm4b:s20+s15] =	stream.strided.scatter [tilespmem:s13], [sflag:$0x4], $0x2000, s9, s15, $0x38;
	[tilespmem:$0xA400] =	vst v63  }
0x23: {  	_ =	swait.ge [sflag:s18], $0x2000  }
0x24: {  	s22 =	simm.s32 $0x280;
	[sflag:s18] =	ssyncset.done $0x0  }
0x25: {  	s21 =	simm.s32 $0x20000;
	s20 =	simm.s32 $0x180;
	[sflag:s18] =	ssyncadd.s32 $0xFFFFE000  }
.LBB2_2:
0x26: {  	[tilespmem:s13], [sflag:$0x2] =	stream.indirect.gather [hbm4b:s3+s9], $0x40, s20, s9, $0xb8;
	[tilespmem:$0xA400] =	vst v63  }
0x27: {  	s23 =	smov.u32 s21;
	s20 =	smov.u32 s22  }
0x28: {  	p0 =	sne.s32 s21, $0xC40000;
	s21 =	sadd.s32 $0x20000, s21;
	_ =	swait.ge [sflag:s14], $0x2000  }
0x29: {  	[sflag:s14] =	ssyncset.done $0x0  }
0x2a: {  	s23 =	sadd.s32 s23, s8;
	[sflag:s14] =	ssyncadd.s32 $0xFFFFE000  }
0x2b: {  	[hbm4b:s23+s15] =	stream.strided.scatter [tilespmem:s12], [sflag:$0x3], $0x2000, s9, s15, $0x38;
	[tilespmem:$0xA400] =	vst v63  }
0x2c: {  	_ =	swait.ge [sflag:s16], $0x2000  }
0x2d: {  	[sflag:s16] =	ssyncset.done $0x0  }
0x2e: {  	s24 =	sadd.s32 $0xFFFFFF80, s22;
	[sflag:s16] =	ssyncadd.s32 $0xFFFFE000  }
0x2f: {  	[tilespmem:s12], [sflag:$0x1] =	stream.indirect.gather [hbm4b:s3+s9], $0x40, s24, s9, $0xb8;
	[tilespmem:$0xA400] =	vst v63  }
0x30: {  	_ =	swait.ge [sflag:s17], $0x2000  }
0x31: {  	[sflag:s17] =	ssyncset.done $0x0  }
.Ltmp0:
0x32: {  	s23 =	sadd.s32 $0x10000, s23;
	[sflag:s17] =	ssyncadd.s32 $0xFFFFE000;
	(pc) =	sbr.rel @p0 .LBB2_2-.Ltmp0, $4  }
0x33: {  	[hbm4b:s23+s15] =	stream.strided.scatter [tilespmem:s13], [sflag:$0x4], $0x2000, s9, s15, $0x38;
	[tilespmem:$0xA400] =	vst v63  }
0x34: {  	_ =	swait.ge [sflag:s18], $0x2000  }
0x35: {  	[sflag:s18] =	ssyncset.done $0x0  }
0x36: {  	s22 =	sadd.s32 $0x100, s22;
	[sflag:s18] =	ssyncadd.s32 $0xFFFFE000  }
0x37: {  	[tilespmem:s13], [sflag:$0x2] =	stream.indirect.gather [hbm4b:s3+s9], $0x40, s20, s9, $0xb8;
	[tilespmem:$0xA400] =	vst v63  }
0x38: {  	_ =	swait.ge [sflag:s14], $0x2000  }
0x39: {  	[sflag:s14] =	ssyncset.done $0x0  }
0x3a: {  	[sflag:s14] =	ssyncadd.s32 $0xFFFFE000  }
0x3b: {  	[hbm4b:s5+s15] =	stream.strided.scatter [tilespmem:s12], [sflag:$0x3], $0x2000, s9, s15, $0x38;
	[tilespmem:$0xA400] =	vst v63  }
0x3c: {  	_ =	swait.ge [sflag:s17], $0x2000  }
0x3d: {  	[sflag:s17] =	ssyncset.done $0x0  }
0x3e: {  	s19 =	sadd.s32 $0x1, s19;
	[sflag:s17] =	ssyncadd.s32 $0xFFFFE000  }
0x3f: {  	[hbm4b:s6+s15] =	stream.strided.scatter [tilespmem:s13], [sflag:$0x4], $0x2000, s9, s15, $0x38;
	[tilespmem:$0xA400] =	vst v63  }
0x40: {  	p0 =	sne.s32 s19, s7;
	_ =	swait.ge [sflag:s16], $0x2000  }
.Ltmp1:
0x41: {  	[sflag:s16] =	ssyncset.done $0x0;
	(pc) =	sbr.rel @p0 .LBB2_1-.Ltmp1, $4  }
0x42: {  	[sflag:s16] =	ssyncadd.s32 $0xFFFFE000  }
0x43: {  	_ =	swait.ge [sflag:s18], $0x2000  }
0x44: {  	[sflag:s18] =	ssyncset.done $0x0  }
0x45: {  	[sflag:s18] =	ssyncadd.s32 $0xFFFFE000  }
0x46: {  	_ =	sfence.sel $0x180000  }
0x47: {  	[bflag:$0x0] =	sbarrier.arrive $0xFFFF  }
0x48: {  	p0 =	sne.s32 s1, $0x0;
	_ =	strace $0x90000047  }
0x49: {  	s0 =	sadd.s32 @!p0 $0x100000, s0;
	[bflag:$0x2] =	sbarrier.arrive $0xFFFF  }
0x4a: {  	[sflag:s0] =	ssyncadd.tile.s32 @!p0 $0x1;
	_ =	shalt  }
.Lfunc_end2:
_tile_overlayer_lowered:
.L_overlay_start_2:
0x4b: {  	(tag) =	ssettag $0x2  }
0x4c: {  	s0 =	rddreg [dreg:$0x0];
	s2 =	stileid.u32  }
0x4d: {  	s1 =	rddreg [dreg:$0x1];
	p0 =	sne.s32 s2, $0x0  }
0x4e: {  	s3 =	rddreg [dreg:$0x2];
	[bflag:$0x3] =	sbarrier.arrive $0xFFFF;
	s2 =	simm.s32 @!p0 $0x1C05  }
0x4f: {  	[timem:s3], [sflag:s2] =	dma.local @!p0 [hbm:s0], s1  }
0x50: {  	s0 =	simm.s32 @!p0 $0x5  }
0x51: {  	_ =	swait.ge @!p0 [sflag:s0], s1  }
0x52: {  	s1 =	ssub.s32 @!p0 $0x0, s1;
	[sflag:s0] =	ssyncset.done @!p0 $0x0  }
0x53: {  	[sflag:s0] =	ssyncadd.s32 @!p0 s1  }
0x54: {  	[bflag:$0x3] =	sbarrier.arrive $0xFFFF  }
0x55: {  	_ =	shalt  }

// kernel: sparse-core-data-format-call.cloned.1.call-start
scs
called_computation_lowered:
.L_overlay_start_0:
0x0: {  	s2 =	sld [smem:$0x3FD9]  }
0x1: {  	s3 =	sld [smem:$0x3FFE];
	_ =	sdelay $0x1  }
0x2: {  	s1 =	srdreg.scid  }
0x3: {  	s0 =	sand.u32 $0x1, s1  }
0x4: {  	s18 =	sshll.u32 s0, $0xA;
	s2 =	sadd.s32 s3, s2  }
0x5: {  	s2 =	sadd.s32 s2, s18  }
0x6: {  	[smem:$0x3FC6] =	sst s2  }
0x7: {  	_ = 	snop  }
0x8: {  	s2 =	sld [smem:$0x3FD0];
	(tm) =	ssettm $0x1  }
0x9: {  	s19 =	sld [smem:$0x3FFB];
	_ =	sdelay $0x3  }
0xa: {  	_ =	strace s19  }
0xb: {  	s3 =	sld [smem:$0x3FFC];
	_ =	sdelay $0x3  }
0xc: {  	_ =	strace s3  }
0xd: {  	s3 =	sld [smem:$0x3FFD];
	_ =	sdelay $0x3  }
0xe: {  	_ =	strace s3  }
0xf: {  	_ =	strace $0x8FFFFFFF  }
0x10: {  	s20 =	sld [smem:$0x3FDB];
	_ =	sdelay $0x1  }
0x11: {  	s4 =	simm.s32 $_scs_section_size  }
0x12: {  	s5 =	simm.s32 $_size__tile_overlayer_lowered;
	s6 =	simm.s32 $_tile_overlayer_lowered  }
0x13: {  	s23 =	simm.s32 $0x1BFF;
	s22 =	sshll.u32 s6, $0x1;
	s3 =	sadd.s32 s4, s20  }
0x14: {  	s7 =	simm.s32 $0x0;
	s21 =	sshll.u32 s5, $0x1;
	s5 =	sadd.s32 s22, s3  }
0x15: {  	[timem:s7], [sflag:s23] =	dma.local [hbm:s5], s21  }
0x16: {  	_ =	swait.ge [sflag:s23], s21  }
0x17: {  	s4 =	ssub.s32 $0x0, s21;
	[sflag:s23] =	ssyncset.done $0x0  }
0x18: {  	[sflag:s23] =	ssyncadd.s32 s4;
	_ =	sdelay $0x1  }
0x19: {  	s24 =	simm.s32 $0x1B8B  }
0x1a: {  	_ =	swait.ge [sflag:s24], $0x1  }
0x1b: {  	[sflag:s24] =	ssyncset.done $0x0  }
0x1c: {  	s26 =	simm.s32 $0x1B8E;
	s25 =	sld [smem:$0x3FFE];
	[sflag:s24] =	ssyncadd.s32 $0xFFFFFFFF  }
0x1d: {  	s27 =	simm.s32 $execute0_lowered;
	[smem:$0x3FD2] =	sst s26  }
0x1e: {  	s5 =	sshll.u32 s27, $0x1;
	_ =	strace $0x80000049;
	[dreg:$0x1] =	wrdreg $0xFFFFFFFF  }
0x1f: {  	s28 =	simm.s32 $_size_execute0_lowered;
	s3 =	sadd.s32 s3, s5;
	[dreg:$0x0] =	wrdreg $0x0  }
0x20: {  	s5 =	sshll.u32 s28, $0x1;
	[dreg:$0x2] =	wrdreg s3  }
0x21: {  	[dreg:$0x3] =	wrdreg s5  }
0x22: {  	[dreg:$0x4] =	wrdreg $0xC0  }
0x23: {  	_ =	task [dreg:s7], $0x5FFFF  }
0x24: {  	[dreg:$0x1] =	wrdreg $0xFFFFFFFF  }
0x25: {  	[dreg:$0x0] =	wrdreg $0x60  }
0x26: {  	[dreg:$0x2] =	wrdreg s25  }
0x27: {  	[dreg:$0x3] =	wrdreg s2  }
0x28: {  	[dreg:$0x4] =	wrdreg $0x9  }
0x29: {  	_ =	task.clear_ibuf [dreg:s7], $0x5FFFF;
	_ =	strace $0x90000049  }
0x2a: {  	s29 =	simm.s32 $0x9;
	_ =	strace $0x8000004B  }
0x2b: {  	_ =	swait.ge [sflag:s29], $0x1  }
0x2c: {  	[sflag:s29] =	ssyncadd.s32 $0xFFFFFFFF  }
0x2d: {  	_ =	strace $0x9000004B  }
0x2e: {  	_ =	sfence  }
0x2f: {  	s30 =	sld [smem:$0x0];
	_ =	sdelay $0x2  }
0x30: {  	s31 =	sshll.u32 s1, $0xD;
	s1 =	sshrl.u32 s1, $0x2  }
0x31: {  	s3 =	sand.u32 $0x4000, s31;
	s1 =	sadd.s32 s1, s30  }
0x32: {  	s0 =	sor.u32 s3, s0;
	s1 =	sshll.u32 s1, $0x11  }
0x33: {  	s0 =	sor.u32 s1, s0  }
0x34: {  	s0 =	sadd.s32 $0x8F2B, s0  }
0x35: {  	[sflag:s0] =	ssyncadd.remote.s32 $0x1  }
0x36: {  	_ =	sfence.sel $0xFFFF  }
0x37: {  	[dreg:$0x0] =	wrdreg $0xFFFFFFFF;
	(pc) =	sbr.abs _section_cstart, $3  }
0x38: {  	[dreg:$0x1] =	wrdreg $0xFFFFFFFF  }
0x39: {  	_ =	task.clear_ibuf [dreg:s7], $0x2FFFF;
	_ =	strace $0x9FFFFFFF  }
0x3a: {  	(tm) =	ssettm $0x7FFFFFFF  }
0x3b: {  	_ =	shalt  }
tec
execute0_lowered:
.L_overlay_start_1:
0x0: {  	(tag) =	ssettag $0x1  }
0x1: {  	s0 =	srdreg.scid  }
0x2: {  	s1 =	sshll.u32 s0, $0x4  }
0x3: {  	s5 =	rddreg [dreg:$0x0];
	s0 =	stileid.u32;
	s1 =	sand.u32 $0x10, s1  }
0x4: {  	s3 =	rddreg [dreg:$0x1];
	s31 =	simm.s32 $0x2;
	s4 =	sor.u32 s0, s1  }
0x5: {  	s13 =	simm.s32 $0x0;
	s9 =	simm.s32 $0x400;
	s2 =	sshll.u32 s4, $0x7  }
0x6: {  	s10 =	simm.s32 $0x8000;
	s14 =	simm.s32 $0x0;
	s6 =	ssub.s32 $0x1000, s2  }
0x7: {  	s1 =	rddreg [dreg:$0x2];
	_ =	strace $0x8000004A;
	s7 =	sand.u32 $0xF80, s6  }
0x8: {  	s4 =	sshll.u32 s4, $0xB;
	p0 =	sne.s32 s7, $0x0;
	s7 =	simm.s32 $0x1  }
.Ltmp0:
0x9: {  	s6 =	sshrl.u32 s6, $0xC;
	s7 =	simm.s32 @!p0 $0x0;
	(pc) =	sbr.rel .LBB1_1-.Ltmp0, $4  }
0xa: {  	s8 =	sadd.s32 s4, s5;
	s4 =	simm.s32 $0x1;
	s30 =	sadd.s32 s7, s6  }
0xb: {  	s11 =	simm.s32 $0x0;
	[sflag:s4] =	ssyncpa.u1 $0x0;
	s5 =	smul.u32 $0x64, s30  }
0xc: {  	s12 =	simm.s32 $0x0;
	[sflag:s31] =	ssyncpa.u1 $0x0;
	p0 =	por $0x0, $0x0  }
0xd: {  	s6 =	sadd.s32 $0xC80800, s8;
	s7 =	sadd.s32 $0xC90800, s8;
	s8 =	sor.u32 $0x1, s5  }
.LBB1_7:
0xe: {  	s15 =	sadd.s32 $0x2, s11  }
0xf: {  	p2 =	sgt.s32 s15, $0xC7  }
0x10: {  	s15 =	simm.s32 @p2 $0x0;
	p2 =	sne.s32 s12, s8  }
.Ltmp1:
0x11: {  	p1 =	slt.u32 s12, $0x2;
	(pc) =	sbr.rel @!p2 .LBB1_8-.Ltmp1, $4  }
0x12: {  	s13 =	simm.s32 @!p1 $0x2  }
0x13: {  	s16 =	sadd.s32 $0x1, s12;
	s14 =	smov.u32 s11;
	_ =	swait.ge @!p1 [sflag:s13], $0x4000  }
0x14: {  	p0 =	por !p0, !p0;
	s12 =	smov.u32 s16;
	[sflag:s13] =	ssyncset.done @!p1 $0x0  }
0x15: {  	s11 =	smov.u32 s15;
	[sflag:s13] =	ssyncadd.s32 @!p1 $0xFFFFC000;
	s13 =	smov.u32 s2  }
.LBB1_1:
0x16: {  	p1 =	sge.u32 s12, s5  }
0x17: {  	s15 =	sxor.u32 @!p1 $0xFFFFFFFF, s12  }
0x18: {  	s16 =	sshll.u32 @!p1 s11, $0x10;
	s18 =	simm.s32 @!p1 $0x40;
	s15 =	sshll.u32 @!p1 s15, $0xE  }
0x19: {  	s19 =	simm.s32 @!p1 $0x80;
	s17 =	sadd.s32 @!p1 s16, s6;
	s15 =	sand.u32 @!p1 $0x4000, s15  }
0x1a: {  	[tilespmem:s15], [sflag:$0x1] =	stream.strided.gather @!p1 [hbm4b:s17+s18], $0x2000, s19, s18, $0x38;
	[tilespmem:$0x10100] =	vst v63  }
0x1b: {  	s31 =	sadd.s32 $0xFFFFFFFF, s12;
	s16 =	sadd.s32 @!p1 s16, s7;
	s15 =	sor.u32 @!p1 $0x2000, s15  }
0x1c: {  	[tilespmem:s15], [sflag:$0x1] =	stream.strided.gather @!p1 [hbm4b:s16+s18], $0x2000, s19, s18, $0x38;
	[tilespmem:$0x10100] =	vst v63  }
0x1d: {  	p1 =	sge.u32 s31, s5  }
.Ltmp2:
0x1e: {  	_ = 	snop;
	(pc) =	sbr.rel @p1 .LBB1_7-.Ltmp2, $1  }
0x1f: {  	_ =	sdelay $0x3  }
0x20: {  	s15 =	simm.s32 $0x1;
	s17 =	sand.u32 $0x1, s12  }
0x21: {  	_ =	swait.ge [sflag:s4], $0x4000;
	s15 =	simm.s32 @!p0 $0x0;
	s17 =	smul.u32 $0x10200, s17  }
0x22: {  	p2 =	por $0x1, $0x1;
	[sflag:s4] =	ssyncset.done $0x0;
	s16 =	smul.u32 $0x10200, s15  }
0x23: {  	s18 =	sshll.u32 s15, $0x10;
	[sflag:s4] =	ssyncadd.s32 $0xFFFFC000;
	s30 =	sshrl.u32 s17, $0x2  }
0x24: {  	s31 =	sshrl.u32 s18, $0x2;
	s18 =	simm.s32 $0x0;
	s16 =	sshrl.u32 s16, $0x2  }
0x25: {  	s15 =	sor.u32 $0x8000, s30;
	s17 =	sadd.s32 $0x20, s31;
	s16 =	sor.u32 $0x8000, s16  }
.LBB1_3:
0x26: {  	s19 =	sshll.u32 s18, $0xD  }
0x27: {  	s19 =	sand.u32 $0x3FFFE000, s19  }
0x28: {  	s21 =	sadd.s32 s19, s17  }
0x29: {  	s31 =	smul.u32 $0x8100, s18;
	v3 =	vld [tilespmem:s21+$0x10]  }
0x2a: {  	v1 =	vld [tilespmem:s21+$0xFFFFFFF0]  }
0x2b: {  	s18 =	sshra.s32 s31, $0x2;
	v0 =	vld [tilespmem:s21+$0x0]  }
0x2c: {  	s18 =	sadd.s32 s18, s16;
	v2 =	vld [tilespmem:s21+$0xFFFFFFE0]  }
0x2d: {  	s19 =	sadd.s32 $0x0, s18  }
0x2e: {  	p1 =	por p2, p2;
	s20 =	simm.s32 $0x4;
	s21 =	sadd.s32 $0x40, s21;
	[tilespmem:s19+$0x1830 ss:$0x81] =	vst.msk $0xffff, v3  }
.LBB1_4:
0x2f: {  	v3 =	vld [tilespmem:s21+$0x10];
	p2 =	sne.s32 s20, $0x1FC;
	[tilespmem:s19+$0x810 ss:$0x81] =	vst.msk $0xffff, v1;
	s22 =	smov.u32 s20;
	s20 =	sadd.s32 $0x4, s20  }
.Ltmp3:
0x30: {  	v1 =	vld [tilespmem:s21+$0xFFFFFFF0];
	[tilespmem:s19+$0x1020 ss:$0x81] =	vst.msk $0xffff, v0;
	(pc) =	sbr.rel @p2 .LBB1_4-.Ltmp3, $4  }
0x31: {  	v0 =	vld [tilespmem:s21+$0x0];
	[tilespmem:s19+$0x0 ss:$0x81] =	vst.msk $0xffff, v2  }
0x32: {  	s19 =	sshra.s32 s22, $0x2;
	v2 =	vld [tilespmem:s21+$0xFFFFFFE0]  }
0x33: {  	s19 =	sadd.s32 s19, s18  }
0x34: {  	s21 =	sadd.s32 $0x40, s21;
	[tilespmem:s19+$0x1830 ss:$0x81] =	vst.msk $0xffff, v3  }
.Ltmp4:
0x35: {  	(pc) =	sbr.rel @p1 .LBB1_3-.Ltmp4, $4  }
0x36: {  	_ = 	snop  }
0x37: {  	[tilespmem:s19+$0x810 ss:$0x81] =	vst.msk $0xffff, v1  }
0x38: {  	[tilespmem:s19+$0x1020 ss:$0x81] =	vst.msk $0xffff, v0  }
0x39: {  	s18 =	simm.s32 $0x1;
	p2 =	por $0x0, $0x0;
	[tilespmem:s19+$0x0 ss:$0x81] =	vst.msk $0xffff, v2  }
.Ltmp5:
0x3a: {  	(pc) =	sbr.rel .LBB1_7-.Ltmp5, $4  }
0x3b: {  	s14 =	sshll.u32 s14, $0xF  }
0x3c: {  	s14 =	sadd.s32 s3, s14  }
0x3d: {  	s13 =	sadd.s32 s13, s14  }
0x3e: {  	[hbm4b:s13+s9] =	stream.strided.scatter [tilespmem:s15], [sflag:$0x2], $0x4000, s10, s9, $0x20;
	[tilespmem:$0x10100] =	vst v63  }
.LBB1_8:
0x3f: {  	_ =	sfence.sel $0x180000  }
0x40: {  	s2 =	simm.s32 $0x1;
	[bflag:$0x0] =	sbarrier.arrive $0xFFFF  }
0x41: {  	s31 =	simm.s32 $0x2;
	[sflag:s2] =	ssyncpa.u1 $0x1  }
0x42: {  	[sflag:s31] =	ssyncpa.u1 $0x1  }
0x43: {  	p0 =	sne.s32 s0, $0x0;
	_ =	strace $0x9000004A  }
0x44: {  	s0 =	sadd.s32 @!p0 $0x100000, s1;
	[bflag:$0x2] =	sbarrier.arrive $0xFFFF  }
0x45: {  	[sflag:s0] =	ssyncadd.tile.s32 @!p0 $0x1;
	_ =	shalt  }
.Lfunc_end1:
_tile_overlayer_lowered:
.L_overlay_start_2:
0x46: {  	(tag) =	ssettag $0x2  }
0x47: {  	s0 =	rddreg [dreg:$0x0];
	s2 =	stileid.u32  }
0x48: {  	s1 =	rddreg [dreg:$0x1];
	p0 =	sne.s32 s2, $0x0  }
0x49: {  	s3 =	rddreg [dreg:$0x2];
	[bflag:$0x3] =	sbarrier.arrive $0xFFFF;
	s2 =	simm.s32 @!p0 $0x1C01  }
0x4a: {  	[timem:s3], [sflag:s2] =	dma.local @!p0 [hbm:s0], s1  }
0x4b: {  	s0 =	simm.s32 @!p0 $0x1  }
0x4c: {  	_ =	swait.ge @!p0 [sflag:s0], s1  }
0x4d: {  	s1 =	ssub.s32 @!p0 $0x0, s1;
	[sflag:s0] =	ssyncset.done @!p0 $0x0  }
0x4e: {  	[sflag:s0] =	ssyncadd.s32 @!p0 s1  }
0x4f: {  	[bflag:$0x3] =	sbarrier.arrive $0xFFFF  }
0x50: {  	_ =	shalt  }

</sc_bundles>
